<compile_context>
chip_gen: v7x
topology: tpu7x:2x2x1
jax: 0.10.2.dev20260603
libtpu: 0.0.44.dev20260713+nightly
codegen_flags: <defaults>
</compile_context>

<pallas_src>
import functools

import jax
import jax.numpy as jnp
from jax import lax
from jax.experimental import pallas as pl
from jax.experimental.pallas import tpu as pltpu

ATOM_VOCAB = 128
HYBRID_VOCAB = 8
ATOM_DIM = 32
HYBRID_DIM = 16
HIDDEN = 64


def _dg(a, b, dims):
    return lax.dot_general(a, b, (dims, ((), ())),
                           preferred_element_type=jnp.float32)


def _fused_body(ids_ref, x_ref, at_ref, ht_ref, wc_ref, bc_ref,
                wf_ref, bfc_ref, wo_ref, bo_ref, o_ref,
                ta_s, th_s, w1t_s, b1c_s, *, bt):
    @pl.when(pl.program_id(0) == 0)
    def _():
        wf_a = wf_ref[0:ATOM_DIM, :]
        wf_h = wf_ref[ATOM_DIM:ATOM_DIM + HYBRID_DIM, :]
        wf_c = wf_ref[ATOM_DIM + HYBRID_DIM:, :]
        ta_s[...] = _dg(wf_a, at_ref[...], ((0,), (1,)))
        th_s[...] = _dg(wf_h, ht_ref[...], ((0,), (1,)))
        w1t_s[...] = _dg(wf_c, wc_ref[...], ((0,), (1,)))
        b1c_s[...] = _dg(wf_c, bc_ref[...], ((0,), (1,))) + bfc_ref[...]

    aid = ids_ref[0, 0]
    hid = ids_ref[1, 0]
    oh_a = (aid == lax.broadcasted_iota(jnp.int32, (ATOM_VOCAB, bt), 0)).astype(jnp.float32)
    oh_h = (hid == lax.broadcasted_iota(jnp.int32, (HYBRID_VOCAB, bt), 0)).astype(jnp.float32)
    h1t = (_dg(ta_s[...], oh_a, ((1,), (0,)))
           + _dg(th_s[...], oh_h, ((1,), (0,)))
           + _dg(w1t_s[...], x_ref[...], ((1,), (1,)))
           + b1c_s[...])
    h = jax.nn.gelu(h1t, approximate=True)
    o_ref[...] = _dg(h, wo_ref[...], ((0,), (0,))) + bo_ref[...]


def kernel(atom_ids, hybrid_ids, node_continuous, atom_table, hybrid_table,
           Wc, bc, Wf, bf, Wo, bo):
    B, A = atom_ids.shape
    T = B * A
    BT = 4096
    assert T % BT == 0
    nb = T // BT
    cont_in = node_continuous.shape[-1]

    ids_both = jnp.stack(
        [atom_ids.reshape(-1), hybrid_ids.reshape(-1)]).reshape(2, nb, 1, BT)
    x2 = node_continuous.reshape(T, cont_in)
    bc2 = bc.reshape(1, -1)
    bfc = bf.reshape(-1, 1)
    bo2 = bo.reshape(1, -1)

    rep = lambda shape: pl.BlockSpec(shape, lambda i: (0,) * len(shape))
    out = pl.pallas_call(
        functools.partial(_fused_body, bt=BT),
        grid=(nb,),
        in_specs=[
            pl.BlockSpec((2, 1, 1, BT), lambda i: (0, i, 0, 0)),
            pl.BlockSpec((BT, cont_in), lambda i: (i, 0)),
            rep(atom_table.shape),
            rep(hybrid_table.shape),
            rep(Wc.shape),
            rep(bc2.shape),
            rep(Wf.shape),
            rep(bfc.shape),
            rep(Wo.shape),
            rep(bo2.shape),
        ],
        out_specs=pl.BlockSpec((BT, HIDDEN), lambda i: (i, 0)),
        out_shape=jax.ShapeDtypeStruct((T, HIDDEN), jnp.float32),
        scratch_shapes=[
            pltpu.VMEM((HIDDEN, ATOM_VOCAB), jnp.float32),
            pltpu.VMEM((HIDDEN, HYBRID_VOCAB), jnp.float32),
            pltpu.VMEM((HIDDEN, cont_in), jnp.float32),
            pltpu.VMEM((HIDDEN, 1), jnp.float32),
        ],
    )(ids_both, x2, atom_table, hybrid_table, Wc, bc2, Wf, bfc, Wo, bo2)
    return out.reshape(B, A, HIDDEN)

# --- scband reference (transcript-rebuilt; emitter-appended) ---
"""Pipeline reference for scband-node-embedder-91182155694327 (READ-ONLY COPY).

The authoritative reference and input builder live on the scoring server;
editing this copy changes nothing except your own understanding.
"""

import jax, jax.numpy as jnp
import numpy as np

ATOM_VOCAB = 128
HYBRID_VOCAB = 8
ATOM_DIM = 32
HYBRID_DIM = 16
CONT_DIM = 16
CONT_IN = 16
HIDDEN = 64
B, A = 4096, 50


def setup_inputs(seed: int = 0) -> dict:
    key = jax.random.key(seed)
    ks = jax.random.split(key, 12)
    atom_ids = jax.random.randint(ks[0], (B, A), 0, ATOM_VOCAB, dtype=jnp.int32)
    hybrid_ids = jax.random.randint(ks[1], (B, A), 0, HYBRID_VOCAB, dtype=jnp.int32)
    node_continuous = jax.random.normal(ks[2], (B, A, CONT_IN), dtype=jnp.float32)
    atom_table = jax.random.normal(ks[3], (ATOM_VOCAB, ATOM_DIM), dtype=jnp.float32) * 0.02
    hybrid_table = jax.random.normal(ks[4], (HYBRID_VOCAB, HYBRID_DIM), dtype=jnp.float32) * 0.02
    Wc = jax.random.normal(ks[5], (CONT_IN, CONT_DIM), dtype=jnp.float32) * (1.0 / np.sqrt(CONT_IN))
    bc = jnp.zeros((CONT_DIM,), dtype=jnp.float32)
    fused_dim = ATOM_DIM + HYBRID_DIM + CONT_DIM
    Wf = jax.random.normal(ks[6], (fused_dim, HIDDEN), dtype=jnp.float32) * (1.0 / np.sqrt(fused_dim))
    bf = jnp.zeros((HIDDEN,), dtype=jnp.float32)
    Wo = jax.random.normal(ks[7], (HIDDEN, HIDDEN), dtype=jnp.float32) * (1.0 / np.sqrt(HIDDEN))
    bo = jnp.zeros((HIDDEN,), dtype=jnp.float32)
    return {
        'atom_ids': atom_ids,
        'hybrid_ids': hybrid_ids,
        'node_continuous': node_continuous,
        'atom_table': atom_table,
        'hybrid_table': hybrid_table,
        'Wc': Wc, 'bc': bc,
        'Wf': Wf, 'bf': bf,
        'Wo': Wo, 'bo': bo,
    }


def reference(atom_ids, hybrid_ids, node_continuous, atom_table, hybrid_table, Wc, bc, Wf, bf, Wo, bo):
    # Embedding lookups (gather rows from tables)
    atom_emb = jnp.take(atom_table, atom_ids, axis=0)          # (B, A, ATOM_DIM)
    hybrid_emb = jnp.take(hybrid_table, hybrid_ids, axis=0)    # (B, A, HYBRID_DIM)
    # Continuous projection (Dense)
    cont_emb = node_continuous @ Wc + bc                        # (B, A, CONT_DIM)
    # Fuse
    fused = jnp.concatenate([atom_emb, hybrid_emb, cont_emb], axis=-1)
    h = fused @ Wf + bf
    h = jax.nn.gelu(h)  # flax nn.gelu default (approximate)
    h = h @ Wo + bo
    return h

if __name__ == "__main__":
    import jax
    _d = setup_inputs()
    print(jax.jit(kernel)(*tuple(_d.values())))

</pallas_src>

<mosaic_0001>
module attributes {stable_mosaic.version = 14 : i64} {
  func.func @_fused_body(%arg0: i32, %arg1: memref<2x1x1x4096xi32, #tpu.memory_space<vmem>>, %arg2: memref<4096x16xf32, #tpu.memory_space<vmem>>, %arg3: memref<128x32xf32, #tpu.memory_space<vmem>>, %arg4: memref<8x16xf32, #tpu.memory_space<vmem>>, %arg5: memref<16x16xf32, #tpu.memory_space<vmem>>, %arg6: memref<1x16xf32, #tpu.memory_space<vmem>>, %arg7: memref<64x64xf32, #tpu.memory_space<vmem>>, %arg8: memref<64x1xf32, #tpu.memory_space<vmem>>, %arg9: memref<64x64xf32, #tpu.memory_space<vmem>>, %arg10: memref<1x64xf32, #tpu.memory_space<vmem>>, %arg11: memref<4096x64xf32, #tpu.memory_space<vmem>>, %arg12: memref<64x128xf32, #tpu.memory_space<vmem>>, %arg13: memref<64x8xf32, #tpu.memory_space<vmem>>, %arg14: memref<64x16xf32, #tpu.memory_space<vmem>>, %arg15: memref<64x1xf32, #tpu.memory_space<vmem>>) attributes {dimension_semantics = [#tpu.dimension_semantics<arbitrary>], iteration_bounds = array<i64: 50>, scalar_prefetch = 0 : i64, scratch_operands = 4 : i64, tpu.core_type = #tpu.core_type<tc>, window_params = [{transform_indices = @transform_0, window_bounds = array<i64: 2, 1, 1, 4096>}, {transform_indices = @transform_1, window_bounds = array<i64: 4096, 16>}, {pipeline_mode = #tpu.pipeline_mode<synchronous>, transform_indices = @transform_2, window_bounds = array<i64: 128, 32>}, {pipeline_mode = #tpu.pipeline_mode<synchronous>, transform_indices = @transform_3, window_bounds = array<i64: 8, 16>}, {pipeline_mode = #tpu.pipeline_mode<synchronous>, transform_indices = @transform_4, window_bounds = array<i64: 16, 16>}, {pipeline_mode = #tpu.pipeline_mode<synchronous>, transform_indices = @transform_5, window_bounds = array<i64: 1, 16>}, {pipeline_mode = #tpu.pipeline_mode<synchronous>, transform_indices = @transform_6, window_bounds = array<i64: 64, 64>}, {pipeline_mode = #tpu.pipeline_mode<synchronous>, transform_indices = @transform_7, window_bounds = array<i64: 64, 1>}, {pipeline_mode = #tpu.pipeline_mode<synchronous>, transform_indices = @transform_8, window_bounds = array<i64: 64, 64>}, {pipeline_mode = #tpu.pipeline_mode<synchronous>, transform_indices = @transform_9, window_bounds = array<i64: 1, 64>}, {transform_indices = @transform_10, window_bounds = array<i64: 4096, 64>}]} {
    %eq3A = arith.constant 0 : i32
    %eq3A_0 = arith.cmpi eq, %arg0, %eq3A : i32
    %convert_element_type3A = arith.extui %eq3A_0 : i1 to i32
    %cond3A = arith.constant 0 : i32
    %cond3A_1 = arith.cmpi ne, %convert_element_type3A, %cond3A : i32
    scf.if %cond3A_1 {
      %get3A_71 = arith.constant 0 : index
      %get3A_72 = arith.constant 0 : index
      %get3A_73 = vector.load %arg7[%get3A_71, %get3A_72] : memref<64x64xf32, #tpu.memory_space<vmem>>, vector<32x64xf32>
      %get3A_74 = arith.constant 32 : index
      %get3A_75 = arith.constant 0 : index
      %get3A_76 = vector.load %arg7[%get3A_74, %get3A_75] : memref<64x64xf32, #tpu.memory_space<vmem>>, vector<16x64xf32>
      %get3A_77 = arith.constant 48 : index
      %get3A_78 = arith.constant 0 : index
      %get3A_79 = vector.load %arg7[%get3A_77, %get3A_78] : memref<64x64xf32, #tpu.memory_space<vmem>>, vector<16x64xf32>
      %get3A_80 = arith.constant 0 : index
      %get3A_81 = arith.constant 0 : index
      %get3A_82 = vector.load %arg3[%get3A_80, %get3A_81] : memref<128x32xf32, #tpu.memory_space<vmem>>, vector<128x32xf32>
      %dot_general3A_83 = arith.constant dense<0.000000e+00> : vector<64x128xf32>
      %dot_general3A_84 = tpu.matmul %get3A_73, %get3A_82, %dot_general3A_83 {dimension_numbers = #tpu.dot_dimension_numbers<[0], [1], [1], [0], [0, 1, 1, 0], [], []>, transpose_lhs_hint = false} : vector<32x64xf32>, vector<128x32xf32>, vector<64x128xf32> -> vector<64x128xf32>
      %swap3A_85 = arith.constant 0 : index
      %swap3A_86 = arith.constant 0 : index
      %swap3A_87 = vector.load %arg12[%swap3A_85, %swap3A_86] : memref<64x128xf32, #tpu.memory_space<vmem>>, vector<64x128xf32>
      tpu.vector_store %arg12[%swap3A_85, %swap3A_86], %dot_general3A_84 {strides = array<i32>} : memref<64x128xf32, #tpu.memory_space<vmem>>, vector<64x128xf32>,
      %get3A_88 = arith.constant 0 : index
      %get3A_89 = arith.constant 0 : index
      %get3A_90 = vector.load %arg4[%get3A_88, %get3A_89] : memref<8x16xf32, #tpu.memory_space<vmem>>, vector<8x16xf32>
      %dot_general3A_91 = arith.constant dense<0.000000e+00> : vector<64x8xf32>
      %dot_general3A_92 = tpu.matmul %get3A_76, %get3A_90, %dot_general3A_91 {dimension_numbers = #tpu.dot_dimension_numbers<[0], [1], [1], [0], [0, 1, 1, 0], [], []>, transpose_lhs_hint = false} : vector<16x64xf32>, vector<8x16xf32>, vector<64x8xf32> -> vector<64x8xf32>
      %swap3A_93 = arith.constant 0 : index
      %swap3A_94 = arith.constant 0 : index
      %swap3A_95 = vector.load %arg13[%swap3A_93, %swap3A_94] : memref<64x8xf32, #tpu.memory_space<vmem>>, vector<64x8xf32>
      tpu.vector_store %arg13[%swap3A_93, %swap3A_94], %dot_general3A_92 {strides = array<i32>} : memref<64x8xf32, #tpu.memory_space<vmem>>, vector<64x8xf32>,
      %get3A_96 = arith.constant 0 : index
      %get3A_97 = arith.constant 0 : index
      %get3A_98 = vector.load %arg5[%get3A_96, %get3A_97] : memref<16x16xf32, #tpu.memory_space<vmem>>, vector<16x16xf32>
      %dot_general3A_99 = arith.constant dense<0.000000e+00> : vector<64x16xf32>
      %dot_general3A_100 = tpu.matmul %get3A_79, %get3A_98, %dot_general3A_99 {dimension_numbers = #tpu.dot_dimension_numbers<[0], [1], [1], [0], [0, 1, 1, 0], [], []>, transpose_lhs_hint = false} : vector<16x64xf32>, vector<16x16xf32>, vector<64x16xf32> -> vector<64x16xf32>
      %swap3A_101 = arith.constant 0 : index
      %swap3A_102 = arith.constant 0 : index
      %swap3A_103 = vector.load %arg14[%swap3A_101, %swap3A_102] : memref<64x16xf32, #tpu.memory_space<vmem>>, vector<64x16xf32>
      tpu.vector_store %arg14[%swap3A_101, %swap3A_102], %dot_general3A_100 {strides = array<i32>} : memref<64x16xf32, #tpu.memory_space<vmem>>, vector<64x16xf32>,
      %get3A_104 = arith.constant 0 : index
      %get3A_105 = arith.constant 0 : index
      %get3A_106 = vector.load %arg6[%get3A_104, %get3A_105] : memref<1x16xf32, #tpu.memory_space<vmem>>, vector<1x16xf32>
      %dot_general3A_107 = arith.constant dense<0.000000e+00> : vector<64x1xf32>
      %dot_general3A_108 = tpu.matmul %get3A_79, %get3A_106, %dot_general3A_107 {dimension_numbers = #tpu.dot_dimension_numbers<[0], [1], [1], [0], [0, 1, 1, 0], [], []>, transpose_lhs_hint = false} : vector<16x64xf32>, vector<1x16xf32>, vector<64x1xf32> -> vector<64x1xf32>
      %get3A_109 = arith.constant 0 : index
      %get3A_110 = arith.constant 0 : index
      %get3A_111 = vector.load %arg8[%get3A_109, %get3A_110] : memref<64x1xf32, #tpu.memory_space<vmem>>, vector<64x1xf32>
      %add3A_112 = arith.addf %dot_general3A_108, %get3A_111 : vector<64x1xf32>
      %swap3A_113 = arith.constant 0 : index
      %swap3A_114 = arith.constant 0 : index
      %swap3A_115 = vector.load %arg15[%swap3A_113, %swap3A_114] : memref<64x1xf32, #tpu.memory_space<vmem>>, vector<64x1xf32>
      tpu.vector_store %arg15[%swap3A_113, %swap3A_114], %add3A_112 {strides = array<i32>} : memref<64x1xf32, #tpu.memory_space<vmem>>, vector<64x1xf32>,
    } else {
    }
    %get3A = arith.constant 0 : index
    %get3A_2 = arith.constant 0 : index
    %get3A_3 = arith.constant 0 : index
    %get3A_4 = arith.constant 0 : index
    %get3A_5 = vector.load %arg1[%get3A, %get3A_2, %get3A_3, %get3A_4] : memref<2x1x1x4096xi32, #tpu.memory_space<vmem>>, vector<1x1x1x4096xi32>
    %get3A_6 = vector.shape_cast %get3A_5 : vector<1x1x1x4096xi32> to vector<1x4096xi32>
    %get3A_7 = arith.constant 1 : index
    %get3A_8 = arith.constant 0 : index
    %get3A_9 = arith.constant 0 : index
    %get3A_10 = arith.constant 0 : index
    %get3A_11 = vector.load %arg1[%get3A_7, %get3A_8, %get3A_9, %get3A_10] : memref<2x1x1x4096xi32, #tpu.memory_space<vmem>>, vector<1x1x1x4096xi32>
    %get3A_12 = vector.shape_cast %get3A_11 : vector<1x1x1x4096xi32> to vector<1x4096xi32>
    %iota3A = tpu.iota {dimensions = array<i32: 0>} : vector<128x4096xi32>
    %eq3A_13 = vector.broadcast %get3A_6 : vector<1x4096xi32> to vector<128x4096xi32>
    %eq3A_14 = arith.cmpi eq, %eq3A_13, %iota3A : vector<128x4096xi32>
    %convert_element_type3A_15 = arith.extui %eq3A_14 : vector<128x4096xi1> to vector<128x4096xi32>
    %convert_element_type3A_16 = arith.sitofp %convert_element_type3A_15 : vector<128x4096xi32> to vector<128x4096xf32>
    %iota3A_17 = tpu.iota {dimensions = array<i32: 0>} : vector<8x4096xi32>
    %eq3A_18 = vector.broadcast %get3A_12 : vector<1x4096xi32> to vector<8x4096xi32>
    %eq3A_19 = arith.cmpi eq, %eq3A_18, %iota3A_17 : vector<8x4096xi32>
    %convert_element_type3A_20 = arith.extui %eq3A_19 : vector<8x4096xi1> to vector<8x4096xi32>
    %convert_element_type3A_21 = arith.sitofp %convert_element_type3A_20 : vector<8x4096xi32> to vector<8x4096xf32>
    %get3A_22 = arith.constant 0 : index
    %get3A_23 = arith.constant 0 : index
    %get3A_24 = vector.load %arg12[%get3A_22, %get3A_23] : memref<64x128xf32, #tpu.memory_space<vmem>>, vector<64x128xf32>
    %dot_general3A = arith.constant dense<0.000000e+00> : vector<64x4096xf32>
    %dot_general3A_25 = tpu.matmul %get3A_24, %convert_element_type3A_16, %dot_general3A {dimension_numbers = #tpu.dot_dimension_numbers<[1], [0], [0], [1], [0, 0, 1, 1], [], []>, transpose_lhs_hint = false} : vector<64x128xf32>, vector<128x4096xf32>, vector<64x4096xf32> -> vector<64x4096xf32>
    %get3A_26 = arith.constant 0 : index
    %get3A_27 = arith.constant 0 : index
    %get3A_28 = vector.load %arg13[%get3A_26, %get3A_27] : memref<64x8xf32, #tpu.memory_space<vmem>>, vector<64x8xf32>
    %dot_general3A_29 = arith.constant dense<0.000000e+00> : vector<64x4096xf32>
    %dot_general3A_30 = tpu.matmul %get3A_28, %convert_element_type3A_21, %dot_general3A_29 {dimension_numbers = #tpu.dot_dimension_numbers<[1], [0], [0], [1], [0, 0, 1, 1], [], []>, transpose_lhs_hint = false} : vector<64x8xf32>, vector<8x4096xf32>, vector<64x4096xf32> -> vector<64x4096xf32>
    %add3A = arith.addf %dot_general3A_25, %dot_general3A_30 : vector<64x4096xf32>
    %get3A_31 = arith.constant 0 : index
    %get3A_32 = arith.constant 0 : index
    %get3A_33 = vector.load %arg14[%get3A_31, %get3A_32] : memref<64x16xf32, #tpu.memory_space<vmem>>, vector<64x16xf32>
    %get3A_34 = arith.constant 0 : index
    %get3A_35 = arith.constant 0 : index
    %get3A_36 = vector.load %arg2[%get3A_34, %get3A_35] : memref<4096x16xf32, #tpu.memory_space<vmem>>, vector<4096x16xf32>
    %dot_general3A_37 = arith.constant dense<0.000000e+00> : vector<64x4096xf32>
    %dot_general3A_38 = tpu.matmul %get3A_33, %get3A_36, %dot_general3A_37 {dimension_numbers = #tpu.dot_dimension_numbers<[1], [1], [0], [0], [0, 0, 1, 0], [], []>, transpose_lhs_hint = false} : vector<64x16xf32>, vector<4096x16xf32>, vector<64x4096xf32> -> vector<64x4096xf32>
    %add3A_39 = arith.addf %add3A, %dot_general3A_38 : vector<64x4096xf32>
    %get3A_40 = arith.constant 0 : index
    %get3A_41 = arith.constant 0 : index
    %get3A_42 = vector.load %arg15[%get3A_40, %get3A_41] : memref<64x1xf32, #tpu.memory_space<vmem>>, vector<64x1xf32>
    %add3A_43 = vector.broadcast %get3A_42 : vector<64x1xf32> to vector<64x4096xf32>
    %add3A_44 = arith.addf %add3A_39, %add3A_43 : vector<64x4096xf32>
    %integer_pow3A = arith.mulf %add3A_44, %add3A_44 : vector<64x4096xf32>
    %integer_pow3A_45 = arith.mulf %add3A_44, %integer_pow3A : vector<64x4096xf32>
    %mul3A = arith.constant 4.471500e-02 : f32
    %mul3A_46 = vector.broadcast %mul3A : f32 to vector<64x4096xf32>
    %mul3A_47 = arith.mulf %mul3A_46, %integer_pow3A_45 : vector<64x4096xf32>
    %add3A_48 = arith.addf %add3A_44, %mul3A_47 : vector<64x4096xf32>
    %mul3A_49 = arith.constant 0.797884583 : f32
    %mul3A_50 = vector.broadcast %mul3A_49 : f32 to vector<64x4096xf32>
    %mul3A_51 = arith.mulf %mul3A_50, %add3A_48 : vector<64x4096xf32>
    %tanh3A = math.tanh %mul3A_51 : vector<64x4096xf32>
    %add3A_52 = arith.constant 1.000000e+00 : f32
    %add3A_53 = vector.broadcast %add3A_52 : f32 to vector<64x4096xf32>
    %add3A_54 = arith.addf %add3A_53, %tanh3A : vector<64x4096xf32>
    %mul3A_55 = arith.constant 5.000000e-01 : f32
    %mul3A_56 = vector.broadcast %mul3A_55 : f32 to vector<64x4096xf32>
    %mul3A_57 = arith.mulf %mul3A_56, %add3A_54 : vector<64x4096xf32>
    %mul3A_58 = arith.mulf %add3A_44, %mul3A_57 : vector<64x4096xf32>
    %get3A_59 = arith.constant 0 : index
    %get3A_60 = arith.constant 0 : index
    %get3A_61 = vector.load %arg9[%get3A_59, %get3A_60] : memref<64x64xf32, #tpu.memory_space<vmem>>, vector<64x64xf32>
    %dot_general3A_62 = arith.constant dense<0.000000e+00> : vector<4096x64xf32>
    %dot_general3A_63 = tpu.matmul %mul3A_58, %get3A_61, %dot_general3A_62 {dimension_numbers = #tpu.dot_dimension_numbers<[0], [0], [1], [1], [0, 1, 1, 1], [], []>, transpose_lhs_hint = false} : vector<64x4096xf32>, vector<64x64xf32>, vector<4096x64xf32> -> vector<4096x64xf32>
    %get3A_64 = arith.constant 0 : index
    %get3A_65 = arith.constant 0 : index
    %get3A_66 = vector.load %arg10[%get3A_64, %get3A_65] : memref<1x64xf32, #tpu.memory_space<vmem>>, vector<1x64xf32>
    %add3A_67 = vector.broadcast %get3A_66 : vector<1x64xf32> to vector<4096x64xf32>
    %add3A_68 = arith.addf %dot_general3A_63, %add3A_67 : vector<4096x64xf32>
    %swap3A = arith.constant 0 : index
    %swap3A_69 = arith.constant 0 : index
    %swap3A_70 = vector.load %arg11[%swap3A, %swap3A_69] : memref<4096x64xf32, #tpu.memory_space<vmem>>, vector<4096x64xf32>
    tpu.vector_store %arg11[%swap3A, %swap3A_69], %add3A_68 {strides = array<i32>} : memref<4096x64xf32, #tpu.memory_space<vmem>>, vector<4096x64xf32>,
    return
  }
  func.func @transform_0(%arg0: i32) -> (i32, i32, i32, i32) {
    %c0_i32 = arith.constant 0 : i32
    %c0_i32_0 = arith.constant 0 : i32
    %c0_i32_1 = arith.constant 0 : i32
    %c0_i32_2 = arith.constant 0 : i32
    return %c0_i32, %arg0, %c0_i32_0, %c0_i32_1 : i32, i32, i32, i32
  }
  func.func @transform_1(%arg0: i32) -> (i32, i32) {
    %c0_i32 = arith.constant 0 : i32
    %c0_i32_0 = arith.constant 0 : i32
    return %arg0, %c0_i32 : i32, i32
  }
  func.func @transform_2(%arg0: i32) -> (i32, i32) {
    %c0_i32 = arith.constant 0 : i32
    %c0_i32_0 = arith.constant 0 : i32
    %c0_i32_1 = arith.constant 0 : i32
    return %c0_i32, %c0_i32_0 : i32, i32
  }
  func.func @transform_3(%arg0: i32) -> (i32, i32) {
    %c0_i32 = arith.constant 0 : i32
    %c0_i32_0 = arith.constant 0 : i32
    %c0_i32_1 = arith.constant 0 : i32
    return %c0_i32, %c0_i32_0 : i32, i32
  }
  func.func @transform_4(%arg0: i32) -> (i32, i32) {
    %c0_i32 = arith.constant 0 : i32
    %c0_i32_0 = arith.constant 0 : i32
    %c0_i32_1 = arith.constant 0 : i32
    return %c0_i32, %c0_i32_0 : i32, i32
  }
  func.func @transform_5(%arg0: i32) -> (i32, i32) {
    %c0_i32 = arith.constant 0 : i32
    %c0_i32_0 = arith.constant 0 : i32
    %c0_i32_1 = arith.constant 0 : i32
    return %c0_i32, %c0_i32_0 : i32, i32
  }
  func.func @transform_6(%arg0: i32) -> (i32, i32) {
    %c0_i32 = arith.constant 0 : i32
    %c0_i32_0 = arith.constant 0 : i32
    %c0_i32_1 = arith.constant 0 : i32
    return %c0_i32, %c0_i32_0 : i32, i32
  }
  func.func @transform_7(%arg0: i32) -> (i32, i32) {
    %c0_i32 = arith.constant 0 : i32
    %c0_i32_0 = arith.constant 0 : i32
    %c0_i32_1 = arith.constant 0 : i32
    return %c0_i32, %c0_i32_0 : i32, i32
  }
  func.func @transform_8(%arg0: i32) -> (i32, i32) {
    %c0_i32 = arith.constant 0 : i32
    %c0_i32_0 = arith.constant 0 : i32
    %c0_i32_1 = arith.constant 0 : i32
    return %c0_i32, %c0_i32_0 : i32, i32
  }
  func.func @transform_9(%arg0: i32) -> (i32, i32) {
    %c0_i32 = arith.constant 0 : i32
    %c0_i32_0 = arith.constant 0 : i32
    %c0_i32_1 = arith.constant 0 : i32
    return %c0_i32, %c0_i32_0 : i32, i32
  }
  func.func @transform_10(%arg0: i32) -> (i32, i32) {
    %c0_i32 = arith.constant 0 : i32
    %c0_i32_0 = arith.constant 0 : i32
    return %arg0, %c0_i32 : i32, i32
  }
}

</mosaic_0001>

<sc_bundles>
// kernel: sparse-core-data-format-call.cloned.1.call-start
scs
called_computation_lowered:
.L_overlay_start_0:
0x0: {  	s2 =	sld [smem:$0x3FD9]  }
0x1: {  	s3 =	sld [smem:$0x3FFE];
	_ =	sdelay $0x1  }
0x2: {  	s1 =	srdreg.scid  }
0x3: {  	s0 =	sand.u32 $0x1, s1  }
0x4: {  	s18 =	sshll.u32 s0, $0xA;
	s2 =	sadd.s32 s3, s2  }
0x5: {  	s2 =	sadd.s32 s2, s18  }
0x6: {  	[smem:$0x3FBD] =	sst s2  }
0x7: {  	_ = 	snop  }
0x8: {  	s2 =	sld [smem:$0x3FD0];
	(tm) =	ssettm $0x1  }
0x9: {  	s19 =	sld [smem:$0x3FFB];
	_ =	sdelay $0x3  }
0xa: {  	_ =	strace s19  }
0xb: {  	s3 =	sld [smem:$0x3FFC];
	_ =	sdelay $0x3  }
0xc: {  	_ =	strace s3  }
0xd: {  	s3 =	sld [smem:$0x3FFD];
	_ =	sdelay $0x3  }
0xe: {  	_ =	strace s3  }
0xf: {  	_ =	strace $0x8FFFFFFF  }
0x10: {  	s20 =	sld [smem:$0x3FDB];
	_ =	sdelay $0x1  }
0x11: {  	s4 =	simm.s32 $_scs_section_size  }
0x12: {  	s5 =	simm.s32 $_size__tile_overlayer_lowered;
	s6 =	simm.s32 $_tile_overlayer_lowered  }
0x13: {  	s23 =	simm.s32 $0x1BFF;
	s22 =	sshll.u32 s6, $0x1;
	s3 =	sadd.s32 s4, s20  }
0x14: {  	s7 =	simm.s32 $0x0;
	s21 =	sshll.u32 s5, $0x1;
	s5 =	sadd.s32 s22, s3  }
0x15: {  	[timem:s7], [sflag:s23] =	dma.local [hbm:s5], s21  }
0x16: {  	_ =	swait.ge [sflag:s23], s21  }
0x17: {  	s4 =	ssub.s32 $0x0, s21;
	[sflag:s23] =	ssyncset.done $0x0  }
0x18: {  	[sflag:s23] =	ssyncadd.s32 s4;
	_ =	sdelay $0x1  }
0x19: {  	s24 =	simm.s32 $0x1B8B  }
0x1a: {  	_ =	swait.ge [sflag:s24], $0x1  }
0x1b: {  	[sflag:s24] =	ssyncset.done $0x0  }
0x1c: {  	s26 =	simm.s32 $0x1B8E;
	s25 =	sld [smem:$0x3FFE];
	[sflag:s24] =	ssyncadd.s32 $0xFFFFFFFF  }
0x1d: {  	s27 =	simm.s32 $execute0_lowered;
	[smem:$0x3FD2] =	sst s26  }
0x1e: {  	s5 =	sshll.u32 s27, $0x1;
	_ =	strace $0x80000046;
	[dreg:$0x1] =	wrdreg $0xFFFFFFFF  }
0x1f: {  	s28 =	simm.s32 $_size_execute0_lowered;
	s3 =	sadd.s32 s3, s5;
	[dreg:$0x0] =	wrdreg $0x0  }
0x20: {  	s5 =	sshll.u32 s28, $0x1;
	[dreg:$0x2] =	wrdreg s3  }
0x21: {  	[dreg:$0x3] =	wrdreg s5  }
0x22: {  	[dreg:$0x4] =	wrdreg $0xC0  }
0x23: {  	_ =	task [dreg:s7], $0x5FFFF  }
0x24: {  	[dreg:$0x1] =	wrdreg $0xFFFFFFFF  }
0x25: {  	[dreg:$0x0] =	wrdreg $0x60  }
0x26: {  	[dreg:$0x2] =	wrdreg s25  }
0x27: {  	[dreg:$0x3] =	wrdreg s2  }
0x28: {  	[dreg:$0x4] =	wrdreg $0x9  }
0x29: {  	_ =	task.clear_ibuf [dreg:s7], $0x5FFFF;
	_ =	strace $0x90000046  }
0x2a: {  	s29 =	simm.s32 $0x9;
	_ =	strace $0x80000048  }
0x2b: {  	_ =	swait.ge [sflag:s29], $0x1  }
0x2c: {  	[sflag:s29] =	ssyncadd.s32 $0xFFFFFFFF  }
0x2d: {  	_ =	strace $0x90000048  }
0x2e: {  	_ =	sfence  }
0x2f: {  	s30 =	sld [smem:$0x0];
	_ =	sdelay $0x2  }
0x30: {  	s31 =	sshll.u32 s1, $0xD;
	s1 =	sshrl.u32 s1, $0x2  }
0x31: {  	s3 =	sand.u32 $0x4000, s31;
	s1 =	sadd.s32 s1, s30  }
0x32: {  	s0 =	sor.u32 s3, s0;
	s1 =	sshll.u32 s1, $0x11  }
0x33: {  	s0 =	sor.u32 s1, s0  }
0x34: {  	s0 =	sadd.s32 $0x8F2B, s0  }
0x35: {  	[sflag:s0] =	ssyncadd.remote.s32 $0x1  }
0x36: {  	_ =	sfence.sel $0xFFFF  }
0x37: {  	[dreg:$0x0] =	wrdreg $0xFFFFFFFF;
	(pc) =	sbr.abs _section_cstart, $3  }
0x38: {  	[dreg:$0x1] =	wrdreg $0xFFFFFFFF  }
0x39: {  	_ =	task.clear_ibuf [dreg:s7], $0x2FFFF;
	_ =	strace $0x9FFFFFFF  }
0x3a: {  	(tm) =	ssettm $0x7FFFFFFF  }
0x3b: {  	_ =	shalt  }
tec
execute0_lowered:
.L_overlay_start_1:
0x0: {  	(tag) =	ssettag $0x1  }
0x1: {  	s0 =	srdreg.scid  }
0x2: {  	s1 =	sshll.u32 s0, $0x4  }
0x3: {  	s0 =	stileid.u32;
	s1 =	sand.u32 $0x10, s1  }
0x4: {  	s1 =	sor.u32 s0, s1  }
0x5: {  	s6 =	rddreg [dreg:$0x0];
	s4 =	simm.s32 $0x1;
	s2 =	sshll.u32 s1, $0x7  }
0x6: {  	s7 =	simm.s32 $0x2;
	s12 =	simm.s32 $0x0;
	s1 =	ssub.s32 $0x1000, s2  }
0x7: {  	s8 =	simm.s32 $0x8000;
	s13 =	simm.s32 $0x0;
	s3 =	sand.u32 $0xF80, s1  }
0x8: {  	s9 =	simm.s32 $0x0;
	s5 =	sshrl.u32 s1, $0xC;
	p0 =	sne.s32 s3, $0x0  }
.Ltmp0:
0x9: {  	s1 =	rddreg [dreg:$0x2];
	s4 =	simm.s32 @!p0 $0x0;
	(pc) =	sbr.rel .LBB1_1-.Ltmp0, $4  }
0xa: {  	s11 =	simm.s32 $0x0;
	s3 =	rddreg [dreg:$0x1];
	s5 =	sadd.s32 s4, s5  }
0xb: {  	_ =	strace $0x80000047;
	s4 =	simm.s32 $0x1;
	s5 =	smul.u32 $0x32, s5  }
0xc: {  	s6 =	sadd.s32 $0x641000, s6;
	s10 =	smov.u32 s2;
	[sflag:s4] =	ssyncpa.u1 $0x0  }
0xd: {  	p0 =	por $0x0, $0x0;
	[sflag:s7] =	ssyncpa.u1 $0x0;
	s7 =	sor.u32 $0x1, s5  }
.LBB1_4:
0xe: {  	s16 =	sshll.u32 s13, $0x3;
	s17 =	sand.u32 $0x78, s13  }
0xf: {  	s30 =	sand.u32 $0x7E00, s13;
	s12 =	sshll.u32 s12, $0xF;
	s16 =	sand.u32 $0xC00, s16  }
0x10: {  	[tilespmem:s15+$0x810 ss:$0x81] =	vst.msk $0xffff, v2;
	s31 =	sand.u32 $0x7, s13;
	s16 =	sor.u32 s17, s16;
	s17 =	sadd.s32 s3, s30  }
0x11: {  	[tilespmem:s15+$0x1020 ss:$0x81] =	vst.msk $0xffff, v0;
	s13 =	sshll.u32 s31, $0x12;
	s12 =	sadd.s32 s12, s17;
	s16 =	sshrl.u32 s16, $0x3  }
0x12: {  	[tilespmem:s15+$0x0 ss:$0x81] =	vst.msk $0xffff, v1;
	s13 =	sor.u32 $0x400, s13;
	s12 =	sadd.s32 s16, s12  }
0x13: {  	[hbm4b:s12+s13] =	stream.strided.scatter [tilespmem:s14], [sflag:$0x2], $0x2000, s8, s13, $0x20;
	[tilespmem:$0x8080] =	vst v63  }
.LBB1_5:
0x14: {  	s14 =	sadd.s32 $0x1, s9  }
0x15: {  	s12 =	sadd.s32 $0x1000, s10;
	s16 =	smov.u32 s10;
	p2 =	sgt.s32 s14, $0x31  }
0x16: {  	s16 =	smov.u32 @p2 s12  }
0x17: {  	s14 =	simm.s32 @p2 $0x0;
	p2 =	sgt.s32 s16, $0xFFF  }
0x18: {  	s16 =	smov.u32 @p2 s2;
	p2 =	sne.s32 s11, s7  }
.Ltmp1:
0x19: {  	p1 =	slt.u32 s11, $0x2;
	(pc) =	sbr.rel @!p2 .LBB1_6-.Ltmp1, $4  }
0x1a: {  	s15 =	simm.s32 @!p1 $0x2  }
0x1b: {  	s13 =	smov.u32 s10;
	p0 =	por !p0, !p0;
	_ =	swait.ge @!p1 [sflag:s15], $0x2000  }
0x1c: {  	s12 =	smov.u32 s9;
	[sflag:s15] =	ssyncset.done @!p1 $0x0;
	s9 =	smov.u32 s14  }
0x1d: {  	s11 =	sadd.s32 $0x1, s11;
	[sflag:s15] =	ssyncadd.s32 @!p1 $0xFFFFE000;
	s10 =	smov.u32 s16  }
.LBB1_1:
0x1e: {  	p1 =	sge.u32 s11, s5  }
0x1f: {  	s14 =	sand.u32 @!p1 $0x1FFFFFF, s9  }
0x20: {  	s15 =	smulhi.u32 @!p1 $0x4924925, s14;
	_ =	sdelay $0x1  }
0x21: {  	s15 =	smul.u32 @!p1 $0x38, s15  }
0x22: {  	s16 =	sxor.u32 @!p1 $0xFFFFFFFF, s11;
	s17 =	smul.u32 @!p1 $0x380, s10  }
0x23: {  	s31 =	sadd.s32 $0xFFFFFFFF, s11;
	s16 =	sshll.u32 @!p1 s16, $0xD;
	s14 =	ssub.s32 @!p1 s14, s15  }
0x24: {  	s15 =	sand.u32 @!p1 $0x2000, s16;
	s16 =	sadd.s32 @!p1 s6, s17;
	s14 =	sshll.u32 @!p1 s14, $0x4  }
0x25: {  	s17 =	simm.s32 @!p1 $0x1C00;
	s14 =	sadd.s32 @!p1 s14, s16;
	s16 =	simm.s32 @!p1 $0x40  }
0x26: {  	[tilespmem:s15], [sflag:$0x1] =	stream.strided.gather @!p1 [hbm4b:s14+s16], $0x2000, s17, s16, $0x38;
	[tilespmem:$0x8080] =	vst v63  }
0x27: {  	p1 =	sge.u32 s31, s5  }
.Ltmp2:
0x28: {  	_ = 	snop;
	(pc) =	sbr.rel @p1 .LBB1_5-.Ltmp2, $1  }
0x29: {  	_ =	sdelay $0x3  }
0x2a: {  	s14 =	simm.s32 $0x1  }
0x2b: {  	_ =	swait.ge [sflag:s4], $0x2000;
	s14 =	simm.s32 @!p0 $0x0  }
0x2c: {  	[sflag:s4] =	ssyncset.done $0x0;
	s15 =	sshll.u32 s14, $0xD  }
0x2d: {  	[sflag:s4] =	ssyncadd.s32 $0xFFFFE000;
	s18 =	sor.u32 $0x20, s15  }
0x2e: {  	s14 =	smul.u32 $0x8100, s14;
	v3 =	vld [tilespmem:s18+$0x10]  }
0x2f: {  	s30 =	sand.u32 $0x1, s11;
	v2 =	vld [tilespmem:s18+$0xFFFFFFF0]  }
0x30: {  	s15 =	smul.u32 $0x8100, s30;
	s14 =	sshrl.u32 s14, $0x2;
	v0 =	vld [tilespmem:s18+$0x0]  }
0x31: {  	v1 =	vld [tilespmem:s18+$0xFFFFFFE0];
	s16 =	sor.u32 $0x4000, s14  }
0x32: {  	s31 =	sshrl.u32 s15, $0x2;
	s15 =	sadd.s32 $0x0, s16  }
0x33: {  	s17 =	simm.s32 $0x4;
	s18 =	sadd.s32 $0x40, s18;
	s14 =	sor.u32 $0x4000, s31;
	[tilespmem:s15+$0x1830 ss:$0x81] =	vst.msk $0xffff, v3  }
.LBB1_3:
0x34: {  	v3 =	vld [tilespmem:s18+$0x10];
	p1 =	sne.s32 s17, $0x1FC;
	[tilespmem:s15+$0x810 ss:$0x81] =	vst.msk $0xffff, v2;
	s19 =	smov.u32 s17;
	s17 =	sadd.s32 $0x4, s17  }
.Ltmp3:
0x35: {  	v2 =	vld [tilespmem:s18+$0xFFFFFFF0];
	[tilespmem:s15+$0x1020 ss:$0x81] =	vst.msk $0xffff, v0;
	(pc) =	sbr.rel @p1 .LBB1_3-.Ltmp3, $4  }
0x36: {  	v0 =	vld [tilespmem:s18+$0x0];
	[tilespmem:s15+$0x0 ss:$0x81] =	vst.msk $0xffff, v1  }
0x37: {  	s15 =	sshra.s32 s19, $0x2;
	v1 =	vld [tilespmem:s18+$0xFFFFFFE0]  }
0x38: {  	s15 =	sadd.s32 s15, s16  }
0x39: {  	s18 =	sadd.s32 $0x40, s18;
	[tilespmem:s15+$0x1830 ss:$0x81] =	vst.msk $0xffff, v3  }
.Ltmp4:
0x3a: {  	_ = 	snop;
	(pc) =	sbr.rel .LBB1_4-.Ltmp4, $1  }
0x3b: {  	_ =	sdelay $0x3  }
.LBB1_6:
0x3c: {  	_ =	sfence.sel $0x180000  }
0x3d: {  	s2 =	simm.s32 $0x1;
	[bflag:$0x0] =	sbarrier.arrive $0xFFFF  }
0x3e: {  	s31 =	simm.s32 $0x2;
	[sflag:s2] =	ssyncpa.u1 $0x1  }
0x3f: {  	[sflag:s31] =	ssyncpa.u1 $0x1  }
0x40: {  	p0 =	sne.s32 s0, $0x0;
	_ =	strace $0x90000047  }
0x41: {  	s0 =	sadd.s32 @!p0 $0x100000, s1;
	[bflag:$0x2] =	sbarrier.arrive $0xFFFF  }
0x42: {  	[sflag:s0] =	ssyncadd.tile.s32 @!p0 $0x1;
	_ =	shalt  }
.Lfunc_end1:
_tile_overlayer_lowered:
.L_overlay_start_2:
0x43: {  	(tag) =	ssettag $0x2  }
0x44: {  	s0 =	rddreg [dreg:$0x0];
	s2 =	stileid.u32  }
0x45: {  	s1 =	rddreg [dreg:$0x1];
	p0 =	sne.s32 s2, $0x0  }
0x46: {  	s3 =	rddreg [dreg:$0x2];
	[bflag:$0x3] =	sbarrier.arrive $0xFFFF;
	s2 =	simm.s32 @!p0 $0x1C01  }
0x47: {  	[timem:s3], [sflag:s2] =	dma.local @!p0 [hbm:s0], s1  }
0x48: {  	s0 =	simm.s32 @!p0 $0x1  }
0x49: {  	_ =	swait.ge @!p0 [sflag:s0], s1  }
0x4a: {  	s1 =	ssub.s32 @!p0 $0x0, s1;
	[sflag:s0] =	ssyncset.done @!p0 $0x0  }
0x4b: {  	[sflag:s0] =	ssyncadd.s32 @!p0 s1  }
0x4c: {  	[bflag:$0x3] =	sbarrier.arrive $0xFFFF  }
0x4d: {  	_ =	shalt  }

</sc_bundles>
